<compile_context>
chip_gen: v7x
topology: tpu7x:2x2x1
jax: 0.10.2.dev20260603
libtpu: 0.0.44.dev20260713+nightly
codegen_flags: <defaults>
</compile_context>

<pallas_src>
import functools

import jax
import jax.numpy as jnp
from jax import lax
from jax.experimental import pallas as pl
from jax.experimental.pallas import tpu as pltpu
from jax.experimental.pallas import tpu_sc as plsc

_N = 4096
_SCALE = 0.125
_L = 16
_NROWBLK = 64
_NCHUNK = _NROWBLK * 128 // _L
_LO = 241
_HI = 271


def _bucket_values(d, wtab):
    rel_pos = d - (_N - 1)
    n = -rel_pos
    ret = (n < 0).astype(jnp.int32) * 16
    n = jnp.abs(n)
    is_small = n < 8
    safe_n = jnp.maximum(n, 1)
    e = (lax.bitcast_convert_type(safe_n.astype(jnp.float32), jnp.int32) >> 23) - 127
    val_if_large = 2 * e + 2 + (safe_n * safe_n >= (1 << (2 * e + 1))).astype(jnp.int32)
    val_if_large = jnp.minimum(val_if_large, 15)
    bucket = ret + jnp.where(is_small, n, val_if_large)
    return plsc.load_gather(wtab, [bucket]) * _SCALE


_MESH = plsc.VectorSubcoreMesh(core_axis_name="c", subcore_axis_name="s")


@functools.partial(
    pl.kernel,
    mesh=_MESH,
    out_type=jax.ShapeDtypeStruct((_N // 8, _N // 128, 8, 128), jnp.float32),
    scratch_types=[
        pltpu.VMEM((8, _NROWBLK, 128), jnp.float32),
        pltpu.VMEM((32,), jnp.float32),
        pltpu.SemaphoreType.DMA,
    ],
    compiler_params=pltpu.CompilerParams(
        use_tc_tiling_on_sc=False,
        needs_layout_passes=False,
    ),
)
def _sc_bias(w_hbm, out_hbm, vshift, wtab, sem):
    cid = lax.axis_index("c")
    sid = lax.axis_index("s")
    pltpu.sync_copy(w_hbm, wtab)

    c15 = plsc.load_gather(wtab, [jnp.full((_L,), 15, jnp.int32)]) * _SCALE
    c31 = plsc.load_gather(wtab, [jnp.full((_L,), 31, jnp.int32)]) * _SCALE
    lane = lax.iota(jnp.int32, _L)

    def fill(u, k, val):
        vshift[u, k // 8, pl.ds(_L * (k % 8), _L)] = val

    def row_copy(u, k):
        m = k + 16 * cid
        i = (_N - 1) - (sid + 16 * u) - 128 * m
        return pltpu.make_async_copy(
            vshift.at[u, pl.ds(m, 32), :],
            out_hbm.at[i // 8, :, i % 8],
            sem,
        )

    def fill_u(u, carry):
        def fill_lo(k, c):
            fill(u, k, c15)
            return c

        def fill_mid(k, c):
            d = _L * k + lane + sid + 16 * u
            fill(u, k, _bucket_values(d, wtab))
            return c

        def fill_hi(k, c):
            fill(u, k, c31)
            return c

        lax.fori_loop(0, _LO, fill_lo, 0)
        lax.fori_loop(_LO, _HI, fill_mid, 0)
        lax.fori_loop(_HI, _NCHUNK, fill_hi, 0)

        def fire_row(k, c):
            row_copy(u, k).start()
            return c

        lax.fori_loop(0, 16, fire_row, 0)
        return carry

    lax.fori_loop(0, 8, fill_u, 0)

    def drain_u(u, carry):
        def drain_row(k, c):
            row_copy(u, k).wait()
            return c

        lax.fori_loop(0, 16, drain_row, 0)
        return carry

    lax.fori_loop(0, 8, drain_u, 0)


def kernel(x, W):
    del x
    o4 = _sc_bias(W.reshape(32))
    return o4.transpose(0, 2, 1, 3).reshape(_N, _N)

# --- scband reference (transcript-rebuilt; emitter-appended) ---
"""Pipeline reference for scband-t5-relative-position-bias-26268019982688 (READ-ONLY COPY).

The authoritative reference and input builder live on the scoring server;
editing this copy changes nothing except your own understanding.
"""

import math
import jax, jax.numpy as jnp
import numpy as np

NUM_BUCKETS = 32
MAX_DISTANCE = 128
SCALE = 0.125


def _relative_position_bucket(relative_position, num_buckets=32, max_distance=128):
    n = -relative_position
    num_buckets = num_buckets // 2
    ret = (n < 0).astype(jnp.int32) * num_buckets
    n = jnp.abs(n)
    max_exact = num_buckets // 2
    is_small = n < max_exact
    safe_n = jnp.maximum(n, 1).astype(jnp.float32)
    val_if_large = max_exact + (jnp.log(safe_n / max_exact) / math.log(max_distance / max_exact) * (num_buckets - max_exact)).astype(jnp.int32)
    val_if_large = jnp.minimum(val_if_large, num_buckets - 1)
    ret = ret + jnp.where(is_small, n, val_if_large)
    return ret


def setup_inputs(seed: int = 0) -> dict:
    key = jax.random.key(seed)
    k1, k2 = jax.random.split(key)
    x = jax.random.normal(k1, (4096, 4096), dtype=jnp.float32)
    # nn.Embedding(num_buckets, 1) weight, N(0,1) init like torch default
    W = jax.random.normal(k2, (NUM_BUCKETS, 1), dtype=jnp.float32)
    return {"x": x, "W": W}


def reference(x, W):
    i, j = x.shape[-2], x.shape[-1]
    q_pos = jnp.arange(i, dtype=jnp.int32)
    k_pos = jnp.arange(j, dtype=jnp.int32)
    rel_pos = k_pos[None, :] - q_pos[:, None]
    rp_bucket = _relative_position_bucket(rel_pos, NUM_BUCKETS, MAX_DISTANCE)
    values = jnp.take(W, rp_bucket, axis=0)  # [i, j, 1] embedding lookup
    bias = values[..., 0]  # rearrange 'i j 1 -> i j'
    return bias * SCALE

if __name__ == "__main__":
    import jax
    _d = setup_inputs()
    print(jax.jit(kernel)(*tuple(_d.values())))

</pallas_src>

<mosaic_0001>
#map = affine_map<(d0, d1) -> (0)>
#map1 = affine_map<(d0, d1) -> (0, 0, 0, 0)>
module attributes {stable_mosaic.version = 14 : i64} {
  func.func @_sc_bias(%arg0: i32, %arg1: i32, %arg2: memref<32xf32, #tpu.memory_space<hbm>>, %arg3: memref<512x32x8x128xf32, #tpu.memory_space<hbm>>, %arg4: memref<8x64x128xf32, #tpu.memory_space<vmem>>, %arg5: memref<32xf32, #tpu.memory_space<vmem>>, %arg6: memref<!tpu.dma_semaphore, #tpu.memory_space<semaphore_mem>>) attributes {dimension_semantics = [#tpu.dimension_semantics<core_parallel>, #tpu.dimension_semantics<subcore_parallel>], iteration_bounds = array<i64: 2, 16>, scalar_prefetch = 0 : i64, scratch_operands = 3 : i64, tpu.core_type = #tpu.core_type<sc_vector_subcore>, window_params = [{transform_indices = #map}, {transform_indices = #map1}]} {
    "tpu.region"() ({
      %run_scoped3A = tpu.sem_alloc : memref<!tpu.dma_semaphore, #tpu.memory_space<semaphore_mem>>
      tpu.enqueue_dma source(%arg2 : memref<32xf32, #tpu.memory_space<hbm>>) target(%arg5 : memref<32xf32, #tpu.memory_space<vmem>>) target_semaphore(%run_scoped3A : memref<!tpu.dma_semaphore, #tpu.memory_space<semaphore_mem>>)
      tpu.wait_dma2 semaphore(%run_scoped3A : memref<!tpu.dma_semaphore, #tpu.memory_space<semaphore_mem>>) src(%arg2 : memref<32xf32, #tpu.memory_space<hbm>>) dst(%arg5 : memref<32xf32, #tpu.memory_space<vmem>>)
      tpu.yield
    }) : () -> ()
    %broadcast_in_dim3A = arith.constant 15 : i32
    %broadcast_in_dim3A_0 = vector.broadcast %broadcast_in_dim3A : i32 to vector<16xi32>
    %gather3A = tpu.vector_load_idx %arg5[%broadcast_in_dim3A_0] : memref<32xf32, #tpu.memory_space<vmem>>[vector<16xi32>], vector<16xf32>,
    %mul3A = arith.constant 1.250000e-01 : f32
    %mul3A_1 = vector.broadcast %mul3A : f32 to vector<16xf32>
    %mul3A_2 = arith.mulf %gather3A, %mul3A_1 : vector<16xf32>
    %broadcast_in_dim3A_3 = arith.constant 31 : i32
    %broadcast_in_dim3A_4 = vector.broadcast %broadcast_in_dim3A_3 : i32 to vector<16xi32>
    %gather3A_5 = tpu.vector_load_idx %arg5[%broadcast_in_dim3A_4] : memref<32xf32, #tpu.memory_space<vmem>>[vector<16xi32>], vector<16xf32>,
    %mul3A_6 = arith.constant 1.250000e-01 : f32
    %mul3A_7 = vector.broadcast %mul3A_6 : f32 to vector<16xf32>
    %mul3A_8 = arith.mulf %gather3A_5, %mul3A_7 : vector<16xf32>
    %iota3A = tpu.iota {dimensions = array<i32: 0>} : vector<16xi32>
    %scan3A = arith.constant 0 : i32
    %scan3A_9 = arith.constant 0 : i32
    %scan3A_10 = arith.constant 8 : i32
    %scan3A_11 = arith.addi %scan3A_9, %scan3A_10 : i32
    %scan3A_12 = arith.constant 1 : i32
    scf.for %scan3A_20 = %scan3A_9 to %scan3A_11 step %scan3A_12  : i32 {
      %scan3A_21 = arith.constant 0 : i32
      %scan3A_22 = arith.constant 0 : i32
      %scan3A_23 = arith.constant 241 : i32
      %scan3A_24 = arith.addi %scan3A_22, %scan3A_23 : i32
      %scan3A_25 = arith.constant 1 : i32
      scf.for %scan3A_45 = %scan3A_22 to %scan3A_24 step %scan3A_25  : i32 {
        %jit3A = arith.constant 8 : i32
        %div3A = arith.divsi %scan3A_45, %jit3A : i32
        %sign3A = arith.constant 0 : i32
        %sign3A_46 = arith.cmpi sgt, %scan3A_45, %sign3A : i32
        %sign3A_47 = arith.extui %sign3A_46 : i1 to i32
        %sign3A_48 = arith.constant 0 : i32
        %sign3A_49 = arith.cmpi slt, %scan3A_45, %sign3A_48 : i32
        %sign3A_50 = arith.extui %sign3A_49 : i1 to i32
        %sign3A_51 = arith.subi %sign3A_47, %sign3A_50 : i32
        %sign3A_52 = arith.constant 0 : i32
        %sign3A_53 = arith.cmpi sgt, %jit3A, %sign3A_52 : i32
        %sign3A_54 = arith.extui %sign3A_53 : i1 to i32
        %sign3A_55 = arith.constant 0 : i32
        %sign3A_56 = arith.cmpi slt, %jit3A, %sign3A_55 : i32
        %sign3A_57 = arith.extui %sign3A_56 : i1 to i32
        %sign3A_58 = arith.subi %sign3A_54, %sign3A_57 : i32
        %ne3A = arith.cmpi ne, %sign3A_51, %sign3A_58 : i32
        %rem3A = arith.remsi %scan3A_45, %jit3A : i32
        %ne3A_59 = arith.constant 0 : i32
        %ne3A_60 = arith.cmpi ne, %rem3A, %ne3A_59 : i32
        %and3A = arith.andi %ne3A, %ne3A_60 : i1
        %sub3A = arith.constant 1 : i32
        %sub3A_61 = arith.subi %div3A, %sub3A : i32
        %select_n3A = arith.select %and3A, %sub3A_61, %div3A : i32
        %jit3A_62 = arith.constant 8 : i32
        %eq3A = arith.constant 0 : i32
        %eq3A_63 = arith.cmpi eq, %jit3A_62, %eq3A : i32
        %jit3A_64 = arith.constant 1 : i32
        %select_n3A_65 = arith.select %eq3A_63, %jit3A_64, %jit3A_62 : i32
        %rem3A_66 = arith.remsi %scan3A_45, %select_n3A_65 : i32
        %ne3A_67 = arith.constant 0 : i32
        %ne3A_68 = arith.cmpi ne, %rem3A_66, %ne3A_67 : i32
        %lt3A = arith.constant 0 : i32
        %lt3A_69 = arith.cmpi slt, %rem3A_66, %lt3A : i32
        %lt3A_70 = arith.constant 0 : i32
        %lt3A_71 = arith.cmpi slt, %select_n3A_65, %lt3A_70 : i32
        %ne3A_72 = arith.xori %lt3A_69, %lt3A_71 : i1
        %and3A_73 = arith.andi %ne3A_72, %ne3A_68 : i1
        %add3A = arith.addi %rem3A_66, %select_n3A_65 : i32
        %select_n3A_74 = arith.select %and3A_73, %add3A, %rem3A_66 : i32
        %mul3A_75 = arith.constant 16 : i32
        %mul3A_76 = arith.muli %mul3A_75, %select_n3A_74 : i32
        %swap3A = arith.index_cast %scan3A_20 : i32 to index
        %swap3A_77 = arith.index_cast %select_n3A : i32 to index
        %swap3A_78 = arith.index_cast %mul3A_76 : i32 to index
        %swap3A_79 = tpu.vector_load %arg4[%swap3A, %swap3A_77, %swap3A_78] {strides = array<i32>} : memref<8x64x128xf32, #tpu.memory_space<vmem>>, vector<16xf32>,
        tpu.vector_store %arg4[%swap3A, %swap3A_77, %swap3A_78], %mul3A_2 {strides = array<i32>} : memref<8x64x128xf32, #tpu.memory_space<vmem>>, vector<16xf32>,
      }
      %scan3A_26 = arith.constant 241 : i32
      %scan3A_27 = arith.constant 0 : i32
      %scan3A_28 = arith.constant 241 : i32
      %scan3A_29 = arith.constant 30 : i32
      %scan3A_30 = arith.addi %scan3A_28, %scan3A_29 : i32
      %scan3A_31 = arith.constant 1 : i32
      scf.for %scan3A_45 = %scan3A_28 to %scan3A_30 step %scan3A_31  : i32 {
        %mul3A_46 = arith.constant 16 : i32
        %mul3A_47 = arith.muli %mul3A_46, %scan3A_45 : i32
        %add3A = vector.broadcast %mul3A_47 : i32 to vector<16xi32>
        %add3A_48 = arith.addi %add3A, %iota3A : vector<16xi32>
        %add3A_49 = vector.broadcast %arg1 : i32 to vector<16xi32>
        %add3A_50 = arith.addi %add3A_48, %add3A_49 : vector<16xi32>
        %mul3A_51 = arith.constant 16 : i32
        %mul3A_52 = arith.muli %mul3A_51, %scan3A_20 : i32
        %add3A_53 = vector.broadcast %mul3A_52 : i32 to vector<16xi32>
        %add3A_54 = arith.addi %add3A_50, %add3A_53 : vector<16xi32>
        %sub3A = arith.constant 4095 : i32
        %sub3A_55 = vector.broadcast %sub3A : i32 to vector<16xi32>
        %sub3A_56 = arith.subi %add3A_54, %sub3A_55 : vector<16xi32>
        %neg3A = arith.constant 0 : i32
        %neg3A_57 = vector.broadcast %neg3A : i32 to vector<16xi32>
        %neg3A_58 = arith.subi %neg3A_57, %sub3A_56 : vector<16xi32>
        %lt3A = arith.constant 0 : i32
        %lt3A_59 = vector.broadcast %lt3A : i32 to vector<16xi32>
        %lt3A_60 = arith.cmpi slt, %neg3A_58, %lt3A_59 : vector<16xi32>
        %convert_element_type3A = arith.extui %lt3A_60 : vector<16xi1> to vector<16xi32>
        %mul3A_61 = arith.constant 16 : i32
        %mul3A_62 = vector.broadcast %mul3A_61 : i32 to vector<16xi32>
        %mul3A_63 = arith.muli %convert_element_type3A, %mul3A_62 : vector<16xi32>
        %abs3A = math.absi %neg3A_58 : vector<16xi32>
        %lt3A_64 = arith.constant 8 : i32
        %lt3A_65 = vector.broadcast %lt3A_64 : i32 to vector<16xi32>
        %lt3A_66 = arith.cmpi slt, %abs3A, %lt3A_65 : vector<16xi32>
        %max3A = arith.constant 1 : i32
        %max3A_67 = vector.broadcast %max3A : i32 to vector<16xi32>
        %max3A_68 = arith.maxsi %abs3A, %max3A_67 : vector<16xi32>
        %convert_element_type3A_69 = arith.sitofp %max3A_68 : vector<16xi32> to vector<16xf32>
        %bitcast_convert_type3A = tpu.bitcast %convert_element_type3A_69 : vector<16xf32> -> vector<16xi32>
        %shift_right_arithmetic3A = arith.constant 23 : i32
        %shift_right_arithmetic3A_70 = vector.broadcast %shift_right_arithmetic3A : i32 to vector<16xi32>
        %shift_right_arithmetic3A_71 = arith.shrsi %bitcast_convert_type3A, %shift_right_arithmetic3A_70 : vector<16xi32>
        %sub3A_72 = arith.constant 127 : i32
        %sub3A_73 = vector.broadcast %sub3A_72 : i32 to vector<16xi32>
        %sub3A_74 = arith.subi %shift_right_arithmetic3A_71, %sub3A_73 : vector<16xi32>
        %mul3A_75 = arith.constant 2 : i32
        %mul3A_76 = vector.broadcast %mul3A_75 : i32 to vector<16xi32>
        %mul3A_77 = arith.muli %mul3A_76, %sub3A_74 : vector<16xi32>
        %add3A_78 = arith.constant 2 : i32
        %add3A_79 = vector.broadcast %add3A_78 : i32 to vector<16xi32>
        %add3A_80 = arith.addi %mul3A_77, %add3A_79 : vector<16xi32>
        %mul3A_81 = arith.muli %max3A_68, %max3A_68 : vector<16xi32>
        %mul3A_82 = arith.constant 2 : i32
        %mul3A_83 = vector.broadcast %mul3A_82 : i32 to vector<16xi32>
        %mul3A_84 = arith.muli %mul3A_83, %sub3A_74 : vector<16xi32>
        %add3A_85 = arith.constant 1 : i32
        %add3A_86 = vector.broadcast %add3A_85 : i32 to vector<16xi32>
        %add3A_87 = arith.addi %mul3A_84, %add3A_86 : vector<16xi32>
        %shift_left3A = arith.constant 1 : i32
        %shift_left3A_88 = vector.broadcast %shift_left3A : i32 to vector<16xi32>
        %shift_left3A_89 = arith.shli %shift_left3A_88, %add3A_87 : vector<16xi32>
        %ge3A = arith.cmpi sge, %mul3A_81, %shift_left3A_89 : vector<16xi32>
        %convert_element_type3A_90 = arith.extui %ge3A : vector<16xi1> to vector<16xi32>
        %add3A_91 = arith.addi %add3A_80, %convert_element_type3A_90 : vector<16xi32>
        %min3A = arith.constant 15 : i32
        %min3A_92 = vector.broadcast %min3A : i32 to vector<16xi32>
        %min3A_93 = arith.minsi %add3A_91, %min3A_92 : vector<16xi32>
        %select_n3A = arith.select %lt3A_66, %abs3A, %min3A_93 : vector<16xi1>, vector<16xi32>
        %add3A_94 = arith.addi %mul3A_63, %select_n3A : vector<16xi32>
        %gather3A_95 = tpu.vector_load_idx %arg5[%add3A_94] : memref<32xf32, #tpu.memory_space<vmem>>[vector<16xi32>], vector<16xf32>,
        %mul3A_96 = arith.constant 1.250000e-01 : f32
        %mul3A_97 = vector.broadcast %mul3A_96 : f32 to vector<16xf32>
        %mul3A_98 = arith.mulf %gather3A_95, %mul3A_97 : vector<16xf32>
        %jit3A = arith.constant 8 : i32
        %div3A = arith.divsi %scan3A_45, %jit3A : i32
        %sign3A = arith.constant 0 : i32
        %sign3A_99 = arith.cmpi sgt, %scan3A_45, %sign3A : i32
        %sign3A_100 = arith.extui %sign3A_99 : i1 to i32
        %sign3A_101 = arith.constant 0 : i32
        %sign3A_102 = arith.cmpi slt, %scan3A_45, %sign3A_101 : i32
        %sign3A_103 = arith.extui %sign3A_102 : i1 to i32
        %sign3A_104 = arith.subi %sign3A_100, %sign3A_103 : i32
        %sign3A_105 = arith.constant 0 : i32
        %sign3A_106 = arith.cmpi sgt, %jit3A, %sign3A_105 : i32
        %sign3A_107 = arith.extui %sign3A_106 : i1 to i32
        %sign3A_108 = arith.constant 0 : i32
        %sign3A_109 = arith.cmpi slt, %jit3A, %sign3A_108 : i32
        %sign3A_110 = arith.extui %sign3A_109 : i1 to i32
        %sign3A_111 = arith.subi %sign3A_107, %sign3A_110 : i32
        %ne3A = arith.cmpi ne, %sign3A_104, %sign3A_111 : i32
        %rem3A = arith.remsi %scan3A_45, %jit3A : i32
        %ne3A_112 = arith.constant 0 : i32
        %ne3A_113 = arith.cmpi ne, %rem3A, %ne3A_112 : i32
        %and3A = arith.andi %ne3A, %ne3A_113 : i1
        %sub3A_114 = arith.constant 1 : i32
        %sub3A_115 = arith.subi %div3A, %sub3A_114 : i32
        %select_n3A_116 = arith.select %and3A, %sub3A_115, %div3A : i32
        %jit3A_117 = arith.constant 8 : i32
        %eq3A = arith.constant 0 : i32
        %eq3A_118 = arith.cmpi eq, %jit3A_117, %eq3A : i32
        %jit3A_119 = arith.constant 1 : i32
        %select_n3A_120 = arith.select %eq3A_118, %jit3A_119, %jit3A_117 : i32
        %rem3A_121 = arith.remsi %scan3A_45, %select_n3A_120 : i32
        %ne3A_122 = arith.constant 0 : i32
        %ne3A_123 = arith.cmpi ne, %rem3A_121, %ne3A_122 : i32
        %lt3A_124 = arith.constant 0 : i32
        %lt3A_125 = arith.cmpi slt, %rem3A_121, %lt3A_124 : i32
        %lt3A_126 = arith.constant 0 : i32
        %lt3A_127 = arith.cmpi slt, %select_n3A_120, %lt3A_126 : i32
        %ne3A_128 = arith.xori %lt3A_125, %lt3A_127 : i1
        %and3A_129 = arith.andi %ne3A_128, %ne3A_123 : i1
        %add3A_130 = arith.addi %rem3A_121, %select_n3A_120 : i32
        %select_n3A_131 = arith.select %and3A_129, %add3A_130, %rem3A_121 : i32
        %mul3A_132 = arith.constant 16 : i32
        %mul3A_133 = arith.muli %mul3A_132, %select_n3A_131 : i32
        %swap3A = arith.index_cast %scan3A_20 : i32 to index
        %swap3A_134 = arith.index_cast %select_n3A_116 : i32 to index
        %swap3A_135 = arith.index_cast %mul3A_133 : i32 to index
        %swap3A_136 = tpu.vector_load %arg4[%swap3A, %swap3A_134, %swap3A_135] {strides = array<i32>} : memref<8x64x128xf32, #tpu.memory_space<vmem>>, vector<16xf32>,
        tpu.vector_store %arg4[%swap3A, %swap3A_134, %swap3A_135], %mul3A_98 {strides = array<i32>} : memref<8x64x128xf32, #tpu.memory_space<vmem>>, vector<16xf32>,
      }
      %scan3A_32 = arith.constant 30 : i32
      %scan3A_33 = arith.constant 0 : i32
      %scan3A_34 = arith.constant 271 : i32
      %scan3A_35 = arith.constant 241 : i32
      %scan3A_36 = arith.addi %scan3A_34, %scan3A_35 : i32
      %scan3A_37 = arith.constant 1 : i32
      scf.for %scan3A_45 = %scan3A_34 to %scan3A_36 step %scan3A_37  : i32 {
        %jit3A = arith.constant 8 : i32
        %div3A = arith.divsi %scan3A_45, %jit3A : i32
        %sign3A = arith.constant 0 : i32
        %sign3A_46 = arith.cmpi sgt, %scan3A_45, %sign3A : i32
        %sign3A_47 = arith.extui %sign3A_46 : i1 to i32
        %sign3A_48 = arith.constant 0 : i32
        %sign3A_49 = arith.cmpi slt, %scan3A_45, %sign3A_48 : i32
        %sign3A_50 = arith.extui %sign3A_49 : i1 to i32
        %sign3A_51 = arith.subi %sign3A_47, %sign3A_50 : i32
        %sign3A_52 = arith.constant 0 : i32
        %sign3A_53 = arith.cmpi sgt, %jit3A, %sign3A_52 : i32
        %sign3A_54 = arith.extui %sign3A_53 : i1 to i32
        %sign3A_55 = arith.constant 0 : i32
        %sign3A_56 = arith.cmpi slt, %jit3A, %sign3A_55 : i32
        %sign3A_57 = arith.extui %sign3A_56 : i1 to i32
        %sign3A_58 = arith.subi %sign3A_54, %sign3A_57 : i32
        %ne3A = arith.cmpi ne, %sign3A_51, %sign3A_58 : i32
        %rem3A = arith.remsi %scan3A_45, %jit3A : i32
        %ne3A_59 = arith.constant 0 : i32
        %ne3A_60 = arith.cmpi ne, %rem3A, %ne3A_59 : i32
        %and3A = arith.andi %ne3A, %ne3A_60 : i1
        %sub3A = arith.constant 1 : i32
        %sub3A_61 = arith.subi %div3A, %sub3A : i32
        %select_n3A = arith.select %and3A, %sub3A_61, %div3A : i32
        %jit3A_62 = arith.constant 8 : i32
        %eq3A = arith.constant 0 : i32
        %eq3A_63 = arith.cmpi eq, %jit3A_62, %eq3A : i32
        %jit3A_64 = arith.constant 1 : i32
        %select_n3A_65 = arith.select %eq3A_63, %jit3A_64, %jit3A_62 : i32
        %rem3A_66 = arith.remsi %scan3A_45, %select_n3A_65 : i32
        %ne3A_67 = arith.constant 0 : i32
        %ne3A_68 = arith.cmpi ne, %rem3A_66, %ne3A_67 : i32
        %lt3A = arith.constant 0 : i32
        %lt3A_69 = arith.cmpi slt, %rem3A_66, %lt3A : i32
        %lt3A_70 = arith.constant 0 : i32
        %lt3A_71 = arith.cmpi slt, %select_n3A_65, %lt3A_70 : i32
        %ne3A_72 = arith.xori %lt3A_69, %lt3A_71 : i1
        %and3A_73 = arith.andi %ne3A_72, %ne3A_68 : i1
        %add3A = arith.addi %rem3A_66, %select_n3A_65 : i32
        %select_n3A_74 = arith.select %and3A_73, %add3A, %rem3A_66 : i32
        %mul3A_75 = arith.constant 16 : i32
        %mul3A_76 = arith.muli %mul3A_75, %select_n3A_74 : i32
        %swap3A = arith.index_cast %scan3A_20 : i32 to index
        %swap3A_77 = arith.index_cast %select_n3A : i32 to index
        %swap3A_78 = arith.index_cast %mul3A_76 : i32 to index
        %swap3A_79 = tpu.vector_load %arg4[%swap3A, %swap3A_77, %swap3A_78] {strides = array<i32>} : memref<8x64x128xf32, #tpu.memory_space<vmem>>, vector<16xf32>,
        tpu.vector_store %arg4[%swap3A, %swap3A_77, %swap3A_78], %mul3A_8 {strides = array<i32>} : memref<8x64x128xf32, #tpu.memory_space<vmem>>, vector<16xf32>,
      }
      %scan3A_38 = arith.constant 241 : i32
      %scan3A_39 = arith.constant 0 : i32
      %scan3A_40 = arith.constant 0 : i32
      %scan3A_41 = arith.constant 16 : i32
      %scan3A_42 = arith.addi %scan3A_40, %scan3A_41 : i32
      %scan3A_43 = arith.constant 1 : i32
      scf.for %scan3A_45 = %scan3A_40 to %scan3A_42 step %scan3A_43  : i32 {
        %mul3A_46 = arith.constant 16 : i32
        %mul3A_47 = arith.muli %mul3A_46, %arg0 : i32
        %add3A = arith.addi %scan3A_45, %mul3A_47 : i32
        %mul3A_48 = arith.constant 16 : i32
        %mul3A_49 = arith.muli %mul3A_48, %scan3A_20 : i32
        %add3A_50 = arith.addi %arg1, %mul3A_49 : i32
        %sub3A = arith.constant 4095 : i32
        %sub3A_51 = arith.subi %sub3A, %add3A_50 : i32
        %mul3A_52 = arith.constant 128 : i32
        %mul3A_53 = arith.muli %mul3A_52, %add3A : i32
        %sub3A_54 = arith.subi %sub3A_51, %mul3A_53 : i32
        %jit3A = arith.constant 8 : i32
        %div3A = arith.divsi %sub3A_54, %jit3A : i32
        %sign3A = arith.constant 0 : i32
        %sign3A_55 = arith.cmpi sgt, %sub3A_54, %sign3A : i32
        %sign3A_56 = arith.extui %sign3A_55 : i1 to i32
        %sign3A_57 = arith.constant 0 : i32
        %sign3A_58 = arith.cmpi slt, %sub3A_54, %sign3A_57 : i32
        %sign3A_59 = arith.extui %sign3A_58 : i1 to i32
        %sign3A_60 = arith.subi %sign3A_56, %sign3A_59 : i32
        %sign3A_61 = arith.constant 0 : i32
        %sign3A_62 = arith.cmpi sgt, %jit3A, %sign3A_61 : i32
        %sign3A_63 = arith.extui %sign3A_62 : i1 to i32
        %sign3A_64 = arith.constant 0 : i32
        %sign3A_65 = arith.cmpi slt, %jit3A, %sign3A_64 : i32
        %sign3A_66 = arith.extui %sign3A_65 : i1 to i32
        %sign3A_67 = arith.subi %sign3A_63, %sign3A_66 : i32
        %ne3A = arith.cmpi ne, %sign3A_60, %sign3A_67 : i32
        %rem3A = arith.remsi %sub3A_54, %jit3A : i32
        %ne3A_68 = arith.constant 0 : i32
        %ne3A_69 = arith.cmpi ne, %rem3A, %ne3A_68 : i32
        %and3A = arith.andi %ne3A, %ne3A_69 : i1
        %sub3A_70 = arith.constant 1 : i32
        %sub3A_71 = arith.subi %div3A, %sub3A_70 : i32
        %select_n3A = arith.select %and3A, %sub3A_71, %div3A : i32
        %jit3A_72 = arith.constant 8 : i32
        %eq3A = arith.constant 0 : i32
        %eq3A_73 = arith.cmpi eq, %jit3A_72, %eq3A : i32
        %jit3A_74 = arith.constant 1 : i32
        %select_n3A_75 = arith.select %eq3A_73, %jit3A_74, %jit3A_72 : i32
        %rem3A_76 = arith.remsi %sub3A_54, %select_n3A_75 : i32
        %ne3A_77 = arith.constant 0 : i32
        %ne3A_78 = arith.cmpi ne, %rem3A_76, %ne3A_77 : i32
        %lt3A = arith.constant 0 : i32
        %lt3A_79 = arith.cmpi slt, %rem3A_76, %lt3A : i32
        %lt3A_80 = arith.constant 0 : i32
        %lt3A_81 = arith.cmpi slt, %select_n3A_75, %lt3A_80 : i32
        %ne3A_82 = arith.xori %lt3A_79, %lt3A_81 : i1
        %and3A_83 = arith.andi %ne3A_82, %ne3A_78 : i1
        %add3A_84 = arith.addi %rem3A_76, %select_n3A_75 : i32
        %select_n3A_85 = arith.select %and3A_83, %add3A_84, %rem3A_76 : i32
        %dma_start3A = arith.constant 0 : i32
        %dma_start3A_86 = tpu.memref_slice %arg4[%scan3A_20, %add3A, %dma_start3A] : memref<8x64x128xf32, #tpu.memory_space<vmem>> -> memref<1x32x128xf32, #tpu.memory_space<vmem>>
        %dma_start3A_87 = tpu.memref_squeeze %dma_start3A_86 : memref<1x32x128xf32, #tpu.memory_space<vmem>> -> memref<32x128xf32, #tpu.memory_space<vmem>>
        %dma_start3A_88 = arith.constant 0 : i32
        %dma_start3A_89 = arith.constant 0 : i32
        %dma_start3A_90 = tpu.memref_slice %arg3[%select_n3A, %dma_start3A_88, %select_n3A_85, %dma_start3A_89] : memref<512x32x8x128xf32, #tpu.memory_space<hbm>> -> memref<1x32x1x128xf32, #tpu.memory_space<hbm>>
        %dma_start3A_91 = tpu.memref_squeeze %dma_start3A_90 : memref<1x32x1x128xf32, #tpu.memory_space<hbm>> -> memref<32x128xf32, #tpu.memory_space<hbm>>
        %dma_start3A_92 = arith.constant 0 : i32
        %dma_start3A_93 = arith.constant 0 : i32
        %dma_start3A_94 = tpu.memref_slice %arg3[%select_n3A, %dma_start3A_92, %select_n3A_85, %dma_start3A_93] : memref<512x32x8x128xf32, #tpu.memory_space<hbm>> -> memref<1x32x1x128xf32, #tpu.memory_space<hbm>>
        %dma_start3A_95 = tpu.memref_squeeze %dma_start3A_94 : memref<1x32x1x128xf32, #tpu.memory_space<hbm>> -> memref<32x128xf32, #tpu.memory_space<hbm>>
        %dma_start3A_96 = arith.constant 0 : i32
        %dma_start3A_97 = tpu.memref_slice %arg4[%scan3A_20, %add3A, %dma_start3A_96] : memref<8x64x128xf32, #tpu.memory_space<vmem>> -> memref<1x32x128xf32, #tpu.memory_space<vmem>>
        %dma_start3A_98 = tpu.memref_squeeze %dma_start3A_97 : memref<1x32x128xf32, #tpu.memory_space<vmem>> -> memref<32x128xf32, #tpu.memory_space<vmem>>
        tpu.enqueue_dma source(%dma_start3A_98 : memref<32x128xf32, #tpu.memory_space<vmem>>) target(%dma_start3A_95 : memref<32x128xf32, #tpu.memory_space<hbm>>) target_semaphore(%arg6 : memref<!tpu.dma_semaphore, #tpu.memory_space<semaphore_mem>>)
      }
      %scan3A_44 = arith.constant 16 : i32
    }
    %scan3A_13 = arith.constant 8 : i32
    %scan3A_14 = arith.constant 0 : i32
    %scan3A_15 = arith.constant 0 : i32
    %scan3A_16 = arith.constant 8 : i32
    %scan3A_17 = arith.addi %scan3A_15, %scan3A_16 : i32
    %scan3A_18 = arith.constant 1 : i32
    scf.for %scan3A_20 = %scan3A_15 to %scan3A_17 step %scan3A_18  : i32 {
      %scan3A_21 = arith.constant 0 : i32
      %scan3A_22 = arith.constant 0 : i32
      %scan3A_23 = arith.constant 16 : i32
      %scan3A_24 = arith.addi %scan3A_22, %scan3A_23 : i32
      %scan3A_25 = arith.constant 1 : i32
      scf.for %scan3A_27 = %scan3A_22 to %scan3A_24 step %scan3A_25  : i32 {
        %mul3A_28 = arith.constant 16 : i32
        %mul3A_29 = arith.muli %mul3A_28, %arg0 : i32
        %add3A = arith.addi %scan3A_27, %mul3A_29 : i32
        %mul3A_30 = arith.constant 16 : i32
        %mul3A_31 = arith.muli %mul3A_30, %scan3A_20 : i32
        %add3A_32 = arith.addi %arg1, %mul3A_31 : i32
        %sub3A = arith.constant 4095 : i32
        %sub3A_33 = arith.subi %sub3A, %add3A_32 : i32
        %mul3A_34 = arith.constant 128 : i32
        %mul3A_35 = arith.muli %mul3A_34, %add3A : i32
        %sub3A_36 = arith.subi %sub3A_33, %mul3A_35 : i32
        %jit3A = arith.constant 8 : i32
        %div3A = arith.divsi %sub3A_36, %jit3A : i32
        %sign3A = arith.constant 0 : i32
        %sign3A_37 = arith.cmpi sgt, %sub3A_36, %sign3A : i32
        %sign3A_38 = arith.extui %sign3A_37 : i1 to i32
        %sign3A_39 = arith.constant 0 : i32
        %sign3A_40 = arith.cmpi slt, %sub3A_36, %sign3A_39 : i32
        %sign3A_41 = arith.extui %sign3A_40 : i1 to i32
        %sign3A_42 = arith.subi %sign3A_38, %sign3A_41 : i32
        %sign3A_43 = arith.constant 0 : i32
        %sign3A_44 = arith.cmpi sgt, %jit3A, %sign3A_43 : i32
        %sign3A_45 = arith.extui %sign3A_44 : i1 to i32
        %sign3A_46 = arith.constant 0 : i32
        %sign3A_47 = arith.cmpi slt, %jit3A, %sign3A_46 : i32
        %sign3A_48 = arith.extui %sign3A_47 : i1 to i32
        %sign3A_49 = arith.subi %sign3A_45, %sign3A_48 : i32
        %ne3A = arith.cmpi ne, %sign3A_42, %sign3A_49 : i32
        %rem3A = arith.remsi %sub3A_36, %jit3A : i32
        %ne3A_50 = arith.constant 0 : i32
        %ne3A_51 = arith.cmpi ne, %rem3A, %ne3A_50 : i32
        %and3A = arith.andi %ne3A, %ne3A_51 : i1
        %sub3A_52 = arith.constant 1 : i32
        %sub3A_53 = arith.subi %div3A, %sub3A_52 : i32
        %select_n3A = arith.select %and3A, %sub3A_53, %div3A : i32
        %jit3A_54 = arith.constant 8 : i32
        %eq3A = arith.constant 0 : i32
        %eq3A_55 = arith.cmpi eq, %jit3A_54, %eq3A : i32
        %jit3A_56 = arith.constant 1 : i32
        %select_n3A_57 = arith.select %eq3A_55, %jit3A_56, %jit3A_54 : i32
        %rem3A_58 = arith.remsi %sub3A_36, %select_n3A_57 : i32
        %ne3A_59 = arith.constant 0 : i32
        %ne3A_60 = arith.cmpi ne, %rem3A_58, %ne3A_59 : i32
        %lt3A = arith.constant 0 : i32
        %lt3A_61 = arith.cmpi slt, %rem3A_58, %lt3A : i32
        %lt3A_62 = arith.constant 0 : i32
        %lt3A_63 = arith.cmpi slt, %select_n3A_57, %lt3A_62 : i32
        %ne3A_64 = arith.xori %lt3A_61, %lt3A_63 : i1
        %and3A_65 = arith.andi %ne3A_64, %ne3A_60 : i1
        %add3A_66 = arith.addi %rem3A_58, %select_n3A_57 : i32
        %select_n3A_67 = arith.select %and3A_65, %add3A_66, %rem3A_58 : i32
        %dma_wait3A = arith.constant 0 : i32
        %dma_wait3A_68 = tpu.memref_slice %arg4[%scan3A_20, %add3A, %dma_wait3A] : memref<8x64x128xf32, #tpu.memory_space<vmem>> -> memref<1x32x128xf32, #tpu.memory_space<vmem>>
        %dma_wait3A_69 = tpu.memref_squeeze %dma_wait3A_68 : memref<1x32x128xf32, #tpu.memory_space<vmem>> -> memref<32x128xf32, #tpu.memory_space<vmem>>
        %dma_wait3A_70 = arith.constant 0 : i32
        %dma_wait3A_71 = arith.constant 0 : i32
        %dma_wait3A_72 = tpu.memref_slice %arg3[%select_n3A, %dma_wait3A_70, %select_n3A_67, %dma_wait3A_71] : memref<512x32x8x128xf32, #tpu.memory_space<hbm>> -> memref<1x32x1x128xf32, #tpu.memory_space<hbm>>
        %dma_wait3A_73 = tpu.memref_squeeze %dma_wait3A_72 : memref<1x32x1x128xf32, #tpu.memory_space<hbm>> -> memref<32x128xf32, #tpu.memory_space<hbm>>
        %dma_wait3A_74 = arith.constant 0 : i32
        %dma_wait3A_75 = arith.constant 0 : i32
        %dma_wait3A_76 = tpu.memref_slice %arg3[%select_n3A, %dma_wait3A_74, %select_n3A_67, %dma_wait3A_75] : memref<512x32x8x128xf32, #tpu.memory_space<hbm>> -> memref<1x32x1x128xf32, #tpu.memory_space<hbm>>
        %dma_wait3A_77 = tpu.memref_squeeze %dma_wait3A_76 : memref<1x32x1x128xf32, #tpu.memory_space<hbm>> -> memref<32x128xf32, #tpu.memory_space<hbm>>
        %dma_wait3A_78 = arith.constant 0 : i32
        %dma_wait3A_79 = tpu.memref_slice %arg4[%scan3A_20, %add3A, %dma_wait3A_78] : memref<8x64x128xf32, #tpu.memory_space<vmem>> -> memref<1x32x128xf32, #tpu.memory_space<vmem>>
        %dma_wait3A_80 = tpu.memref_squeeze %dma_wait3A_79 : memref<1x32x128xf32, #tpu.memory_space<vmem>> -> memref<32x128xf32, #tpu.memory_space<vmem>>
        tpu.wait_dma2 semaphore(%arg6 : memref<!tpu.dma_semaphore, #tpu.memory_space<semaphore_mem>>) src(%dma_wait3A_80 : memref<32x128xf32, #tpu.memory_space<vmem>>) dst(%dma_wait3A_77 : memref<32x128xf32, #tpu.memory_space<hbm>>)
      }
      %scan3A_26 = arith.constant 16 : i32
    }
    %scan3A_19 = arith.constant 8 : i32
    return
  }
}

</mosaic_0001>

<sc_bundles>
// kernel: kernel.3.cloned.1.call-start
scs
__scs_entry_jumppad:
0x0: {  	(pc) =	sbr.rel $0x88, $3  }
0x1: {  	(tag) =	ssettag $0x0;
	lr =	simm.s32 $0x1  }
0x2: {  	[smem:$0x3FA0] =	sst lr;
	_ =	strace $0xD0000000  }
0x3: {  	_ = 	snop  }
0x4: {  	_ = 	snop  }
0x5: {  	_ = 	snop  }
0x6: {  	_ = 	snop  }
0x7: {  	_ = 	snop  }
__scs_overlays_trampoline_lowered:
0x8: {  	[smem:$0x3FAF] =	sst s0  }
0x9: {  	[smem:$0x3FB0] =	sst s1  }
0xa: {  	[smem:$0x3FB1] =	sst s2  }
0xb: {  	[smem:$0x3FB2] =	sst s3  }
0xc: {  	[smem:$0x3FB3] =	sst s4  }
0xd: {  	[smem:$0x3FB4] =	sst s5  }
0xe: {  	[smem:$0x3FB5] =	sst s6  }
0xf: {  	[smem:$0x3FB6] =	sst s7  }
0x10: {  	[smem:$0x3FB7] =	sst s8  }
0x11: {  	[smem:$0x3FB8] =	sst s9;
	s0 =	simm.s32 @!p0 $0x0  }
0x12: {  	s1 =	sld [smem:$0x3F9E];
	s0 =	simm.s32 @p0 $0x1  }
0x13: {  	[smem:$0x3FB9] =	sst s0;
	s0 =	simm.s32 @!p1 $0x0  }
0x14: {  	s2 =	sld [smem:$0x3F9D];
	s0 =	simm.s32 @p1 $0x1  }
0x15: {  	[smem:$0x3FBA] =	sst s0;
	s0 =	simm.s32 @!p2 $0x0  }
0x16: {  	s3 =	sld [smem:$0x3FDB];
	s0 =	simm.s32 @p2 $0x1  }
0x17: {  	s4 =	simm.s32 $0x1BF5;
	[smem:$0x3FBC] =	sst s0  }
0x18: {  	s0 =	sld [smem:$0x3F9F];
	_ =	swait.ge [sflag:s4], $0x0  }
0x19: {  	s7 =	sld [smem:$0x3FA0]  }
0x1a: {  	s8 =	sadd.s32 $0xFFFFE003, lr  }
0x1b: {  	s9 =	sadd.s32 $0xFFFFFEF7, lr;
	s5 =	simm.s32 $0xFFFFFFFF;
	p2 =	slt.u32 s8, $0xFFFFF086  }
0x1c: {  	p1 =	slt.u32 s9, $0xF7A;
	s5 =	simm.s32 @!p2 $0x0  }
0x1d: {  	s5 =	simm.s32 @p1 $0x1;
	p0 =	seq.s32 s7, s2  }
0x1e: {  	s7 =	smul.u32 @!p0 $0xF7A, s2;
	p2 =	seq.s32 @!p0 s5, $0x0  }
0x1f: {  	s9 =	smul.u32 $0xF7A, s1;
	s8 =	simm.s32 @!p0 $0x1BF5;
	p2 =	por !p2, p0  }
0x20: {  	[sflag:s8] =	ssyncset.s32 @!p0 $0xFFFFF086;
	s6 =	sadd.s32 @!p0 s3, s7;
	s7 =	simm.s32 @!p0 $0x108  }
0x21: {  	s3 =	sadd.s32 s3, s9;
	s6 =	sadd.s32 @!p0 $0x88, s6;
	s7 =	simm.s32 @p2 $0x1082  }
0x22: {  	[simem:s7], [sflag:s8] =	dma.local @!p0 [hbm:s6], $0xF7A  }
0x23: {  	s9 =	sor.u32 $0xD0000000, s2;
	s6 =	simm.s32 $0x108;
	_ =	swait.ge @!p0 [sflag:s8], $0x0  }
0x24: {  	s3 =	sadd.s32 $0x88, s3;
	s6 =	simm.s32 @!p1 $0x1082;
	[sflag:s4] =	ssyncset.s32 $0xFFFFF086  }
0x25: {  	[simem:s6], [sflag:s4] =	dma.local [hbm:s3], $0xF7A  }
0x26: {  	[smem:$0x3FA0] =	sst s1;
	(tag) =	ssettag s2;
	_ =	strace s9  }
0x27: {  	s1 =	sld [smem:$0x3FB0]  }
0x28: {  	s2 =	sld [smem:$0x3FB1]  }
0x29: {  	s4 =	sld [smem:$0x3FB3]  }
0x2a: {  	p0 =	seq.s32 s5, $0x0;
	s5 =	sld [smem:$0x3FB4]  }
0x2b: {  	s6 =	sld [smem:$0x3FB5]  }
0x2c: {  	s7 =	sld [smem:$0x3FB6]  }
0x2d: {  	s3 =	simm.s32 $0x108;
	s8 =	sld [smem:$0x3FB7]  }
0x2e: {  	s3 =	simm.s32 @!p0 $0x1082;
	s9 =	sld [smem:$0x3FB8]  }
0x2f: {  	lr =	sadd.s32 s0, s3;
	s0 =	sld [smem:$0x3FAF]  }
0x30: {  	s3 =	sld [smem:$0x3FB2]  }
0x31: {  	[smem:$0x3FBB] =	sst s10  }
0x32: {  	s10 =	sld [smem:$0x3FB9];
	_ =	sdelay $0x3  }
0x33: {  	p0 =	seq.s32 s10, $0x1;
	s10 =	sld [smem:$0x3FBB];
	_ =	sdelay $0x3  }
0x34: {  	[smem:$0x3FBB] =	sst s10  }
0x35: {  	s10 =	sld [smem:$0x3FBA];
	_ =	sdelay $0x3  }
0x36: {  	p1 =	seq.s32 s10, $0x1;
	s10 =	sld [smem:$0x3FBB];
	_ =	sdelay $0x3  }
0x37: {  	[smem:$0x3FBB] =	sst s10  }
0x38: {  	s10 =	sld [smem:$0x3FBC]  }
0x39: {  	_ = 	snop;
	(pc) =	sbr.ind lr, $3  }
0x3a: {  	_ = 	snop  }
0x3b: {  	_ = 	snop  }
0x3c: {  	p2 =	seq.s32 s10, $0x1;
	s10 =	sld [smem:$0x3FBB]  }
0x3d: {  	_ =	shalt  }
0x3e: {  	_ =	shalt  }
0x3f: {  	_ =	shalt  }
0x40: {  	_ =	shalt  }
0x41: {  	_ =	shalt  }
0x42: {  	_ =	shalt  }
0x43: {  	_ =	shalt  }
0x44: {  	_ =	shalt  }
0x45: {  	_ =	shalt  }
0x46: {  	_ =	shalt  }
0x47: {  	_ =	shalt  }
0x48: {  	_ =	shalt  }
0x49: {  	_ =	shalt  }
0x4a: {  	_ =	shalt  }
0x4b: {  	_ =	shalt  }
0x4c: {  	_ =	shalt  }
0x4d: {  	_ =	shalt  }
0x4e: {  	_ =	shalt  }
0x4f: {  	_ =	shalt  }
0x50: {  	_ =	shalt  }
0x51: {  	_ =	shalt  }
0x52: {  	_ =	shalt  }
0x53: {  	_ =	shalt  }
0x54: {  	_ =	shalt  }
0x55: {  	_ =	shalt  }
0x56: {  	_ =	shalt  }
0x57: {  	_ =	shalt  }
0x58: {  	_ =	shalt  }
0x59: {  	_ =	shalt  }
0x5a: {  	_ =	shalt  }
0x5b: {  	_ =	shalt  }
0x5c: {  	_ =	shalt  }
0x5d: {  	_ =	shalt  }
0x5e: {  	_ =	shalt  }
0x5f: {  	_ =	shalt  }
0x60: {  	_ =	shalt  }
0x61: {  	_ =	shalt  }
0x62: {  	_ =	shalt  }
0x63: {  	_ =	shalt  }
0x64: {  	_ =	shalt  }
0x65: {  	_ =	shalt  }
0x66: {  	_ =	shalt  }
0x67: {  	_ =	shalt  }
0x68: {  	_ =	shalt  }
0x69: {  	_ =	shalt  }
0x6a: {  	_ =	shalt  }
0x6b: {  	_ =	shalt  }
0x6c: {  	_ =	shalt  }
0x6d: {  	_ =	shalt  }
0x6e: {  	_ =	shalt  }
0x6f: {  	_ =	shalt  }
0x70: {  	_ =	shalt  }
0x71: {  	_ =	shalt  }
0x72: {  	_ =	shalt  }
0x73: {  	_ =	shalt  }
0x74: {  	_ =	shalt  }
0x75: {  	_ =	shalt  }
0x76: {  	_ =	shalt  }
0x77: {  	_ =	shalt  }
0x78: {  	_ =	shalt  }
0x79: {  	_ =	shalt  }
0x7a: {  	_ =	shalt  }
0x7b: {  	_ =	shalt  }
0x7c: {  	_ =	shalt  }
0x7d: {  	_ =	shalt  }
0x7e: {  	_ =	shalt  }
0x7f: {  	_ =	shalt  }
0x80: {  	_ =	shalt  }
0x81: {  	_ =	shalt  }
0x82: {  	_ =	shalt  }
0x83: {  	_ =	shalt  }
0x84: {  	_ =	shalt  }
0x85: {  	_ =	shalt  }
0x86: {  	_ =	shalt  }
0x87: {  	_ =	shalt  }
.Lfunc_end0:
.L_simem_size_0:
called_computation_lowered:
.L_overlay_start_0:
0x88: {  	s2 =	sld [smem:$0x3FD9]  }
0x89: {  	s3 =	sld [smem:$0x3FFE];
	_ =	sdelay $0x1  }
0x8a: {  	s1 =	srdreg.scid  }
0x8b: {  	s0 =	sand.u32 $0x1, s1  }
0x8c: {  	s18 =	sshll.u32 s0, $0xA;
	s2 =	sadd.s32 s3, s2  }
0x8d: {  	s2 =	sadd.s32 s2, s18  }
0x8e: {  	[smem:$0x3FC7] =	sst s2  }
0x8f: {  	_ = 	snop  }
0x90: {  	s2 =	sld [smem:$0x3FC9]  }
0x91: {  	s19 =	sld [smem:$0x3FD0];
	(tm) =	ssettm $0x1  }
0x92: {  	s4 =	sld [smem:$0x3FFB];
	_ =	sdelay $0x3  }
0x93: {  	_ =	strace s4  }
0x94: {  	s4 =	sld [smem:$0x3FFC];
	_ =	sdelay $0x3  }
0x95: {  	_ =	strace s4  }
0x96: {  	s4 =	sld [smem:$0x3FFD];
	_ =	sdelay $0x3  }
0x97: {  	_ =	strace s4  }
0x98: {  	_ =	strace $0x8FFFFFFF  }
0x99: {  	s20 =	sld [smem:$0x3FDB];
	_ =	sdelay $0x1  }
0x9a: {  	s5 =	simm.s32 $_scs_section_size  }
0x9b: {  	s6 =	simm.s32 $_size__tile_overlayer_lowered;
	s7 =	simm.s32 $_tile_overlayer_lowered  }
0x9c: {  	s23 =	simm.s32 $0x1BFF;
	s22 =	sshll.u32 s7, $0x1;
	s4 =	sadd.s32 s5, s20  }
0x9d: {  	s8 =	simm.s32 $0x0;
	s21 =	sshll.u32 s6, $0x1;
	s6 =	sadd.s32 s22, s4  }
0x9e: {  	[timem:s8], [sflag:s23] =	dma.local [hbm:s6], s21  }
0x9f: {  	_ =	swait.ge [sflag:s23], s21  }
0xa0: {  	s5 =	ssub.s32 $0x0, s21;
	[sflag:s23] =	ssyncset.done $0x0  }
0xa1: {  	[sflag:s23] =	ssyncadd.s32 s5;
	_ =	sdelay $0x1  }
0xa2: {  	s24 =	simm.s32 $0x1B8B  }
0xa3: {  	_ =	swait.ge [sflag:s24], $0x1  }
0xa4: {  	[sflag:s24] =	ssyncset.done $0x0  }
0xa5: {  	s25 =	simm.s32 $0x1B8E;
	[sflag:s24] =	ssyncadd.s32 $0xFFFFFFFF  }
0xa6: {  	s26 =	simm.s32 $execute0_lowered;
	[smem:$0x3FD2] =	sst s25  }
0xa7: {  	s5 =	sshll.u32 s26, $0x1;
	_ =	strace $0x80000046;
	[dreg:$0x1] =	wrdreg $0xFFFFFFFF  }
0xa8: {  	s28 =	simm.s32 $_size_execute0_lowered;
	s4 =	sadd.s32 s4, s5;
	[dreg:$0x0] =	wrdreg $0x0  }
0xa9: {  	s5 =	sshll.u32 s28, $0x1;
	[dreg:$0x2] =	wrdreg s4  }
0xaa: {  	[dreg:$0x3] =	wrdreg s5  }
0xab: {  	[dreg:$0x4] =	wrdreg $0xC0  }
0xac: {  	_ =	task [dreg:s8], $0x5FFFF  }
0xad: {  	[dreg:$0x1] =	wrdreg $0xFFFFFFFF  }
0xae: {  	[dreg:$0x0] =	wrdreg $0x60  }
0xaf: {  	[dreg:$0x2] =	wrdreg s2  }
0xb0: {  	[dreg:$0x3] =	wrdreg s19  }
0xb1: {  	[dreg:$0x4] =	wrdreg $0x9  }
0xb2: {  	_ =	task.clear_ibuf [dreg:s8], $0x5FFFF;
	_ =	strace $0x90000046  }
0xb3: {  	s29 =	simm.s32 $0x9;
	_ =	strace $0x80000048  }
0xb4: {  	_ =	swait.ge [sflag:s29], $0x1  }
0xb5: {  	[sflag:s29] =	ssyncadd.s32 $0xFFFFFFFF  }
0xb6: {  	_ =	strace $0x90000048  }
0xb7: {  	_ =	sfence  }
0xb8: {  	s30 =	sld [smem:$0x0];
	_ =	sdelay $0x2  }
0xb9: {  	s31 =	sshll.u32 s1, $0xD;
	s1 =	sshrl.u32 s1, $0x2  }
0xba: {  	s3 =	sand.u32 $0x4000, s31;
	s1 =	sadd.s32 s1, s30  }
0xbb: {  	s0 =	sor.u32 s3, s0;
	s1 =	sshll.u32 s1, $0x11  }
0xbc: {  	s0 =	sor.u32 s1, s0  }
0xbd: {  	s0 =	sadd.s32 $0x8F2B, s0  }
0xbe: {  	[sflag:s0] =	ssyncadd.remote.s32 $0x1  }
0xbf: {  	_ =	sfence.sel $0xFFFF  }
0xc0: {  	[dreg:$0x0] =	wrdreg $0xFFFFFFFF;
	(pc) =	sbr.abs _section_cstart, $3  }
0xc1: {  	[dreg:$0x1] =	wrdreg $0xFFFFFFFF  }
0xc2: {  	_ =	task.clear_ibuf [dreg:s8], $0x2FFFF;
	_ =	strace $0x9FFFFFFF  }
0xc3: {  	(tm) =	ssettm $0x7FFFFFFF  }
tec
execute0_lowered:
.L_overlay_start_1:
0x0: {  	(tag) =	ssettag $0x1  }
0x1: {  	s1 =	rddreg [dreg:$0x0]  }
0x2: {  	s2 =	rddreg [dreg:$0x1];
	s3 =	srdreg.scid  }
0x3: {  	s0 =	rddreg [dreg:$0x2];
	s4 =	simm.s32 $0x0;
	s9 =	simm.s32 $0x10000  }
0x4: {  	s10 =	simm.s32 $0x2;
	s11 =	simm.s32 $0x80;
	s12 =	simm.s32 $0x400  }
0x5: {  	s13 =	simm.s32 $0x1;
	s14 =	simm.s32 $0x0;
	s5 =	sand.u32 $0x1, s3  }
0x6: {  	v0 =	vlaneseq.u32;
	s3 =	stileid.u32;
	s6 =	ssub.s32 $0x2, s5;
	s5 =	sshll.u32 s5, $0xB  }
0x7: {  	[smem:$0x7FF] =	sst s4;
	v2 =	vmul.u32 $0xFFFFFFFF, v0;
	s7 =	sshrl.u32 s6, $0x1;
	s8 =	sor.u32 s5, s3  }
0x8: {  	v1 =	vimm.s32 $0x1F;
	v3 =	vimm.s32 $0x1;
	_ =	strace $0x80000047;
	s6 =	ssub.s32 s6, s7;
	s8 =	sxor.u32 $0xFFF, s8  }
0x9: {  	v4 =	vimm.s32 $0x0;
	v0 =	vimm.s32 $0xF;
	v2 =	vadd.s32 $0xFFF, v2;
	s6 =	smax.u32 s6, $0x1;
	s7 =	sshll.u32 s8, $0x4;
	s8 =	sshll.u32 s8, $0x9  }
.LBB2_1:
0xa: {  	[tilespmem:s9], [sflag:$0x2] =	stream.linear.gather [hbm4b:s1+s4], $0x20, $0x38;
	[tilespmem:$0x10020] =	vst v63  }
0xb: {  	_ =	swait.ge [sflag:s10], $0x20  }
0xc: {  	[sflag:s10] =	ssyncset.done $0x0  }
0xd: {  	[sflag:s10] =	ssyncadd.s32 $0xFFFFFFE0  }
0xe: {  	v5 =	vld.idx.msk [tilespmem:v0+s9+$0x0], $0xffff  }
0xf: {  	v6 =	vld.idx.msk [tilespmem:v1+s9+$0x0], $0xffff;
	_ =	sdelay $0x3  }
0x10: {  	s15 =	smov.u32 s5  }
0x11: {  	s16 =	smov.u32 s8;
	s17 =	smov.u32 s7;
	s18 =	simm.s32 $0x0;
	v5 =	vmul.f32 $1.250000000e-01, v5;
	v6 =	vmul.f32 $1.250000000e-01, v6  }
.LBB2_2:
0x12: {  	s20 =	simm.s32 $0x0  }
0x13: {  	s19 =	sshll.u32 s18, $0xD;
	s21 =	sand.u32 $0x3E00, s20  }
0x14: {  	s19 =	sand.u32 $0x3FFFE000, s19;
	s21 =	sshrl.u32 s21, $0x2  }
0x15: {  	s22 =	sand.u32 $0x70, s20;
	s21 =	sadd.s32 s21, s19  }
0x16: {  	s22 =	sadd.s32 s22, s21  }
0x17: {  	s21 =	simm.s32 $0x40;
	[tilespmem:s22+$0x0] =	vst v5  }
.LBB2_3:
0x18: {  	p0 =	seq.s32 s21, $0x3C00  }
.Ltmp0:
0x19: {  	s22 =	sand.u32 $0x3E00, s21;
	s21 =	sadd.s32 $0x40, s21;
	(pc) =	sbr.rel @!p0 .LBB2_3-.Ltmp0, $4  }
0x1a: {  	s20 =	sadd.s32 $0x10, s20;
	s22 =	sshrl.u32 s22, $0x2  }
0x1b: {  	s23 =	sand.u32 $0x70, s20;
	s22 =	sadd.s32 s22, s19  }
0x1c: {  	s22 =	sadd.s32 s23, s22  }
0x1d: {  	[tilespmem:s22+$0x0] =	vst v5  }
0x1e: {  	s20 =	sshll.u32 s18, $0x4  }
0x1f: {  	s21 =	sadd.s32 $0xF10, s3;
	s23 =	ssub.s32 $0x0, s20  }
0x20: {  	s21 =	ssub.s32 s23, s21  }
0x21: {  	v7 =	vadd.s32 s21, v2  }
0x22: {  	v8 =	vsub.s32 $0x0, v7  }
0x23: {  	v8 =	vmin.u32 v7, v8  }
0x24: {  	v9 =	vmax.u32 v8, $0x1  }
0x25: {  	v10 =	vcvt.s32.f32 v9;
	_ =	sdelay $0x1  }
0x26: {  	s25 =	sadd.s32 $0xF20, s3;
	v10 =	vshrl.u32 v10, $0x16  }
0x27: {  	s21 =	ssub.s32 s23, s25;
	v10 =	vand.u32 $0x1FE, v10  }
0x28: {  	v12 =	vadd.s32 s21, v2;
	v9 =	vmul.u32 v9, v9;
	v11 =	vadd.s32 $0xFFFFFF03, v10  }
0x29: {  	v13 =	vsub.s32 $0x0, v12;
	v11 =	vshll.u32 v3, v11  }
0x2a: {  	v13 =	vmin.u32 v12, v13;
	vm0 =	vge.s32 v9, v11  }
0x2b: {  	v9 =	vmax.u32 v13, $0x1;
	v11 =	vsel vm0, $0x1, v4  }
0x2c: {  	v14 =	vcvt.s32.f32 v9;
	v10 =	vor.u32 v11, v10  }
0x2d: {  	v7 =	vshrl.u32 v7, $0x1B;
	v10 =	vadd.s32 $0xFFFFFF04, v10  }
0x2e: {  	vm1 =	vlt.u32 v8, $0x8;
	v11 =	vshrl.u32 v14, $0x16;
	vm12 =	vlt.s32 v10, $0xF  }
0x2f: {  	s26 =	sadd.s32 $0xF30, s3;
	v7 =	vand.u32 $0x10, v7;
	v14 =	vand.u32 $0x1FE, v11;
	v10 =	vnsel vm12, $0xF, v10  }
0x30: {  	s21 =	ssub.s32 s23, s26;
	v9 =	vmul.u32 v9, v9;
	v11 =	vadd.s32 $0xFFFFFF03, v14;
	v10 =	vsel vm1, v8, v10  }
0x31: {  	v8 =	vadd.s32 s21, v2;
	v11 =	vshll.u32 v3, v11;
	v10 =	vadd.s32 v7, v10  }
0x32: {  	vm13 =	vge.s32 v9, v11;
	v9 =	vsub.s32 $0x0, v8  }
0x33: {  	v7 =	vmin.u32 v8, v9;
	v9 =	vsel vm13, $0x1, v4  }
0x34: {  	v11 =	vmax.u32 v7, $0x1;
	v9 =	vor.u32 v9, v14  }
0x35: {  	s24 =	simm.s32 $0x3C40;
	v14 =	vcvt.s32.f32 v11;
	v9 =	vadd.s32 $0xFFFFFF04, v9  }
0x36: {  	s28 =	simm.s32 $0xF20;
	s29 =	simm.s32 $0x3CC0;
	s22 =	simm.s32 $0xF40;
	v12 =	vshrl.u32 v12, $0x1B;
	vm14 =	vlt.s32 v9, $0xF;
	v10 =	vld.idx.msk [tilespmem:v10+s9+$0x0], $0xffff  }
0x37: {  	s31 =	sadd.s32 $0xF40, s3;
	s30 =	simm.s32 $0x3D40;
	s20 =	simm.s32 $0xF10;
	vm15 =	vlt.u32 v13, $0x8;
	v14 =	vshrl.u32 v14, $0x16;
	v15 =	vnsel vm14, $0xF, v9  }
0x38: {  	s25 =	simm.s32 $0xF30;
	s26 =	simm.s32 $0x3C80;
	v12 =	vand.u32 $0x10, v12;
	s21 =	simm.s32 $0x3D00;
	v9 =	vand.u32 $0x1FE, v14;
	v13 =	vsel vm15, v13, v15  }
.LBB2_5:
0x39: {  	p0 =	sne.s32 s30, $0x4380;
	s31 =	ssub.s32 s23, s31;
	v11 =	vmul.u32 v11, v11;
	v14 =	vadd.s32 $0xFFFFFF03, v9;
	v12 =	vadd.s32 v12, v13;
	s24 =	sand.u32 $0x7E00, s24  }
0x3a: {  	v13 =	vadd.s32 s31, v2;
	v14 =	vshll.u32 v3, v14;
	s31 =	sshrl.u32 s24, $0x2;
	s24 =	smov.u32 s26;
	s26 =	smov.u32 s29  }
0x3b: {  	v10 =	vmul.f32 $1.250000000e-01, v10;
	s29 =	sand.u32 $0x70, s20;
	s20 =	smov.u32 s28;
	v15 =	vsub.s32 $0x0, v13;
	vm0 =	vge.s32 v11, v14;
	s31 =	sadd.s32 s31, s19  }
0x3c: {  	s28 =	smov.u32 s25;
	s25 =	smov.u32 s22;
	v14 =	vmin.u32 v13, v15;
	v15 =	vsel vm0, $0x1, v4;
	s29 =	sadd.s32 s29, s31  }
.Ltmp1:
0x3d: {  	v11 =	vmax.u32 v14, $0x1;
	v9 =	vor.u32 v15, v9;
	[tilespmem:s29+$0x0] =	vst v10;
	s29 =	smov.u32 s21;
	s21 =	smov.u32 s30;
	(pc) =	sbr.rel @p0 .LBB2_5-.Ltmp1, $4  }
0x3e: {  	v15 =	vcvt.s32.f32 v11;
	v9 =	vadd.s32 $0xFFFFFF04, v9;
	v10 =	vld.idx.msk [tilespmem:v12+s9+$0x0], $0xffff  }
0x3f: {  	v12 =	vshrl.u32 v8, $0x1B;
	v8 =	vmov v13;
	vm0 =	vlt.s32 v9, $0xF  }
0x40: {  	vm1 =	vlt.u32 v7, $0x8;
	s22 =	sadd.s32 $0x10, s22;
	v13 =	vshrl.u32 v15, $0x16;
	v15 =	vnsel vm0, $0xF, v9  }
0x41: {  	s31 =	sadd.s32 s22, s3;
	s30 =	sadd.s32 $0x40, s30;
	v12 =	vand.u32 $0x10, v12;
	v9 =	vand.u32 $0x1FE, v13;
	v13 =	vsel vm1, v7, v15;
	v7 =	vmovc v14  }
0x42: {  	s23 =	ssub.s32 s23, s31  }
0x43: {  	v11 =	vmul.u32 v11, v11;
	v14 =	vadd.s32 $0xFFFFFF03, v9;
	v15 =	vadd.s32 s23, v2  }
0x44: {  	v12 =	vadd.s32 v12, v13;
	s31 =	sand.u32 $0x7E00, s24;
	v55 =	vshll.u32 v3, v14;
	v56 =	vsub.s32 $0x0, v15  }
0x45: {  	s23 =	sshrl.u32 s31, $0x2;
	vm0 =	vge.s32 v11, v55;
	v57 =	vmin.u32 v15, v56  }
0x46: {  	s20 =	sand.u32 $0x70, s20;
	v10 =	vmul.f32 $1.250000000e-01, v10;
	s23 =	sadd.s32 s23, s19;
	v13 =	vsel vm0, $0x1, v4;
	v14 =	vmax.u32 v57, $0x1  }
0x47: {  	s20 =	sadd.s32 s20, s23;
	v58 =	vor.u32 v13, v9;
	v59 =	vcvt.s32.f32 v14  }
0x48: {  	v8 =	vshrl.u32 v8, $0x1B;
	[tilespmem:s20+$0x0] =	vst v10;
	v9 =	vadd.s32 $0xFFFFFF04, v58  }
0x49: {  	vm1 =	vlt.u32 v7, $0x8;
	v10 =	vld.idx.msk [tilespmem:v12+s9+$0x0], $0xffff;
	vm12 =	vlt.s32 v9, $0xF;
	v60 =	vshrl.u32 v59, $0x16  }
0x4a: {  	v8 =	vand.u32 $0x10, v8;
	v9 =	vnsel vm12, $0xF, v9;
	v12 =	vand.u32 $0x1FE, v60  }
0x4b: {  	v61 =	vmul.u32 v14, v14;
	v7 =	vsel vm1, v7, v9;
	v62 =	vadd.s32 $0xFFFFFF03, v12  }
0x4c: {  	s24 =	sand.u32 $0x7E00, s26;
	v7 =	vadd.s32 v8, v7;
	v8 =	vshll.u32 v3, v62  }
0x4d: {  	s20 =	sshrl.u32 s24, $0x2;
	vm13 =	vge.s32 v61, v8  }
0x4e: {  	s26 =	sand.u32 $0x70, s28;
	s20 =	sadd.s32 s20, s19;
	v8 =	vmul.f32 $1.250000000e-01, v10;
	v9 =	vsel vm13, $0x1, v4  }
0x4f: {  	s20 =	sadd.s32 s26, s20;
	v9 =	vor.u32 v9, v12  }
0x50: {  	[tilespmem:s20+$0x0] =	vst v8;
	v8 =	vadd.s32 $0xFFFFFF04, v9  }
0x51: {  	v7 =	vld.idx.msk [tilespmem:v7+s9+$0x0], $0xffff;
	vm14 =	vlt.s32 v8, $0xF  }
0x52: {  	v63 =	vshrl.u32 v15, $0x1B;
	vm15 =	vlt.u32 v57, $0x8;
	v8 =	vnsel vm14, $0xF, v8  }
0x53: {  	v9 =	vand.u32 $0x10, v63;
	v8 =	vsel vm15, v57, v8  }
0x54: {  	s28 =	sand.u32 $0x7E00, s29;
	v8 =	vadd.s32 v9, v8  }
0x55: {  	s20 =	sshrl.u32 s28, $0x2  }
0x56: {  	s29 =	sand.u32 $0x70, s25;
	s20 =	sadd.s32 s20, s19;
	v7 =	vmul.f32 $1.250000000e-01, v7  }
0x57: {  	s20 =	sadd.s32 s29, s20  }
0x58: {  	[tilespmem:s20+$0x0] =	vst v7  }
0x59: {  	v7 =	vld.idx.msk [tilespmem:v8+s9+$0x0], $0xffff;
	_ =	sdelay $0x2  }
0x5a: {  	s30 =	sand.u32 $0x7E00, s21  }
0x5b: {  	s20 =	sshrl.u32 s30, $0x2  }
0x5c: {  	s31 =	sand.u32 $0x70, s22;
	s20 =	sadd.s32 s20, s19;
	v7 =	vmul.f32 $1.250000000e-01, v7  }
0x5d: {  	s20 =	sadd.s32 s31, s20  }
0x5e: {  	s21 =	simm.s32 $0x10F0;
	[tilespmem:s20+$0x0] =	vst v7;
	s20 =	simm.s32 $0x43C0  }
.LBB2_7:
0x5f: {  	p0 =	sne.s32 s20, $0x7FC0  }
.Ltmp2:
0x60: {  	s22 =	sand.u32 $0x7E00, s20;
	(pc) =	sbr.rel @p0 .LBB2_7-.Ltmp2, $4  }
0x61: {  	s22 =	sshrl.u32 s22, $0x2  }
0x62: {  	s23 =	sand.u32 $0x70, s21;
	s22 =	sadd.s32 s22, s19  }
0x63: {  	s22 =	sadd.s32 s23, s22  }
0x64: {  	s21 =	sadd.s32 $0x10, s21;
	s20 =	sadd.s32 $0x40, s20;
	[tilespmem:s22+$0x0] =	vst v6  }
0x65: {  	s19 =	simm.s32 $0x200;
	s21 =	sand.u32 $0x70, s17  }
0x66: {  	s20 =	sadd.s32 $0xFFFF0000, s16;
	s22 =	sand.u32 $0x1FF000, s16;
	s21 =	sadd.s32 s2, s21  }
0x67: {  	s23 =	sadd.s32 $0x0, s15;
	s22 =	sadd.s32 s22, s21;
	s21 =	sadd.s32 $0xFFFFF800, s17  }
.LBB2_9:
0x68: {  	[hbm4b:s22+s11] =	stream.strided.scatter [tilespmem:s23], [sflag:$0x1], $0x1000, s12, s11, $0x38;
	[tilespmem:$0x10020] =	vst v63  }
0x69: {  	s22 =	smov.u32 s19;
	s23 =	smov.u32 s20;
	p0 =	sne.s32 s19, $0x1E00  }
.Ltmp3:
0x6a: {  	s19 =	sadd.s32 $0x200, s19;
	(pc) =	sbr.rel @p0 .LBB2_9-.Ltmp3, $4  }
0x6b: {  	_ = 	snop  }
0x6c: {  	s24 =	sand.u32 $0x70, s21;
	s20 =	sadd.s32 $0xFFFF0000, s20  }
0x6d: {  	s23 =	sand.u32 $0x1FF000, s23;
	s24 =	sadd.s32 s2, s24;
	s25 =	sshra.s32 s22, $0x2  }
0x6e: {  	s21 =	sadd.s32 $0xFFFFF800, s21;
	s22 =	sadd.s32 s23, s24;
	s23 =	sadd.s32 s25, s15  }
0x6f: {  	s18 =	sadd.s32 $0x1, s18  }
0x70: {  	p0 =	sne.s32 s18, $0x8  }
.Ltmp4:
0x71: {  	_ = 	snop;
	(pc) =	sbr.rel @p0 .LBB2_2-.Ltmp4, $3  }
0x72: {  	_ =	sdelay $0x1  }
0x73: {  	[hbm4b:s22+s11] =	stream.strided.scatter [tilespmem:s23], [sflag:$0x1], $0x1000, s12, s11, $0x38;
	[tilespmem:$0x10020] =	vst v63  }
0x74: {  	s17 =	sadd.s32 $0xFFFFFF00, s17;
	s16 =	sadd.s32 $0xFFFFE000, s16;
	s15 =	sadd.s32 $0x2000, s15  }
0x75: {  	_ =	swait.ge [sflag:s13], $0x1000  }
0x76: {  	[sflag:s13] =	ssyncset.done $0x0  }
0x77: {  	[sflag:s13] =	ssyncadd.s32 $0xFFFFF000  }
0x78: {  	_ =	swait.ge [sflag:s13], $0x1000  }
0x79: {  	[sflag:s13] =	ssyncset.done $0x0  }
0x7a: {  	[sflag:s13] =	ssyncadd.s32 $0xFFFFF000  }
0x7b: {  	_ =	swait.ge [sflag:s13], $0x1000  }
0x7c: {  	[sflag:s13] =	ssyncset.done $0x0  }
0x7d: {  	[sflag:s13] =	ssyncadd.s32 $0xFFFFF000  }
0x7e: {  	_ =	swait.ge [sflag:s13], $0x1000  }
0x7f: {  	[sflag:s13] =	ssyncset.done $0x0  }
0x80: {  	[sflag:s13] =	ssyncadd.s32 $0xFFFFF000  }
0x81: {  	_ =	swait.ge [sflag:s13], $0x1000  }
0x82: {  	[sflag:s13] =	ssyncset.done $0x0  }
0x83: {  	[sflag:s13] =	ssyncadd.s32 $0xFFFFF000  }
0x84: {  	_ =	swait.ge [sflag:s13], $0x1000  }
0x85: {  	[sflag:s13] =	ssyncset.done $0x0  }
0x86: {  	[sflag:s13] =	ssyncadd.s32 $0xFFFFF000  }
0x87: {  	_ =	swait.ge [sflag:s13], $0x1000  }
0x88: {  	[sflag:s13] =	ssyncset.done $0x0  }
0x89: {  	[sflag:s13] =	ssyncadd.s32 $0xFFFFF000  }
0x8a: {  	_ =	swait.ge [sflag:s13], $0x1000  }
0x8b: {  	[sflag:s13] =	ssyncset.done $0x0  }
0x8c: {  	[sflag:s13] =	ssyncadd.s32 $0xFFFFF000  }
0x8d: {  	_ =	swait.ge [sflag:s13], $0x1000  }
0x8e: {  	[sflag:s13] =	ssyncset.done $0x0  }
0x8f: {  	[sflag:s13] =	ssyncadd.s32 $0xFFFFF000  }
0x90: {  	_ =	swait.ge [sflag:s13], $0x1000  }
0x91: {  	[sflag:s13] =	ssyncset.done $0x0  }
0x92: {  	[sflag:s13] =	ssyncadd.s32 $0xFFFFF000  }
0x93: {  	_ =	swait.ge [sflag:s13], $0x1000  }
0x94: {  	[sflag:s13] =	ssyncset.done $0x0  }
0x95: {  	[sflag:s13] =	ssyncadd.s32 $0xFFFFF000  }
0x96: {  	_ =	swait.ge [sflag:s13], $0x1000  }
0x97: {  	[sflag:s13] =	ssyncset.done $0x0  }
0x98: {  	[sflag:s13] =	ssyncadd.s32 $0xFFFFF000  }
0x99: {  	_ =	swait.ge [sflag:s13], $0x1000  }
0x9a: {  	[sflag:s13] =	ssyncset.done $0x0  }
0x9b: {  	[sflag:s13] =	ssyncadd.s32 $0xFFFFF000  }
0x9c: {  	_ =	swait.ge [sflag:s13], $0x1000  }
0x9d: {  	[sflag:s13] =	ssyncset.done $0x0  }
0x9e: {  	[sflag:s13] =	ssyncadd.s32 $0xFFFFF000  }
0x9f: {  	_ =	swait.ge [sflag:s13], $0x1000  }
0xa0: {  	[sflag:s13] =	ssyncset.done $0x0  }
0xa1: {  	[sflag:s13] =	ssyncadd.s32 $0xFFFFF000  }
0xa2: {  	_ =	swait.ge [sflag:s13], $0x1000  }
0xa3: {  	s15 =	simm.s32 $0x7;
	[sflag:s13] =	ssyncset.done $0x0  }
.LBB2_12:
0xa4: {  	p0 =	sne.s32 s15, $0x1;
	s15 =	sadd.s32 $0xFFFFFFFF, s15;
	[sflag:s13] =	ssyncadd.s32 $0xFFFFF000  }
0xa5: {  	_ =	swait.ge [sflag:s13], $0x1000  }
0xa6: {  	[sflag:s13] =	ssyncset.done $0x0  }
0xa7: {  	[sflag:s13] =	ssyncadd.s32 $0xFFFFF000  }
0xa8: {  	_ =	swait.ge [sflag:s13], $0x1000  }
0xa9: {  	[sflag:s13] =	ssyncset.done $0x0  }
0xaa: {  	[sflag:s13] =	ssyncadd.s32 $0xFFFFF000  }
0xab: {  	_ =	swait.ge [sflag:s13], $0x1000  }
0xac: {  	[sflag:s13] =	ssyncset.done $0x0  }
0xad: {  	[sflag:s13] =	ssyncadd.s32 $0xFFFFF000  }
0xae: {  	_ =	swait.ge [sflag:s13], $0x1000  }
0xaf: {  	[sflag:s13] =	ssyncset.done $0x0  }
0xb0: {  	[sflag:s13] =	ssyncadd.s32 $0xFFFFF000  }
0xb1: {  	_ =	swait.ge [sflag:s13], $0x1000  }
0xb2: {  	[sflag:s13] =	ssyncset.done $0x0  }
0xb3: {  	[sflag:s13] =	ssyncadd.s32 $0xFFFFF000  }
0xb4: {  	_ =	swait.ge [sflag:s13], $0x1000  }
0xb5: {  	[sflag:s13] =	ssyncset.done $0x0  }
0xb6: {  	[sflag:s13] =	ssyncadd.s32 $0xFFFFF000  }
0xb7: {  	_ =	swait.ge [sflag:s13], $0x1000  }
0xb8: {  	[sflag:s13] =	ssyncset.done $0x0  }
0xb9: {  	[sflag:s13] =	ssyncadd.s32 $0xFFFFF000  }
0xba: {  	_ =	swait.ge [sflag:s13], $0x1000  }
0xbb: {  	[sflag:s13] =	ssyncset.done $0x0  }
0xbc: {  	[sflag:s13] =	ssyncadd.s32 $0xFFFFF000  }
0xbd: {  	_ =	swait.ge [sflag:s13], $0x1000  }
0xbe: {  	[sflag:s13] =	ssyncset.done $0x0  }
0xbf: {  	[sflag:s13] =	ssyncadd.s32 $0xFFFFF000  }
0xc0: {  	_ =	swait.ge [sflag:s13], $0x1000  }
0xc1: {  	[sflag:s13] =	ssyncset.done $0x0  }
0xc2: {  	[sflag:s13] =	ssyncadd.s32 $0xFFFFF000  }
0xc3: {  	_ =	swait.ge [sflag:s13], $0x1000  }
0xc4: {  	[sflag:s13] =	ssyncset.done $0x0  }
0xc5: {  	[sflag:s13] =	ssyncadd.s32 $0xFFFFF000  }
0xc6: {  	_ =	swait.ge [sflag:s13], $0x1000  }
0xc7: {  	[sflag:s13] =	ssyncset.done $0x0  }
0xc8: {  	[sflag:s13] =	ssyncadd.s32 $0xFFFFF000  }
0xc9: {  	_ =	swait.ge [sflag:s13], $0x1000  }
0xca: {  	[sflag:s13] =	ssyncset.done $0x0  }
0xcb: {  	[sflag:s13] =	ssyncadd.s32 $0xFFFFF000  }
0xcc: {  	_ =	swait.ge [sflag:s13], $0x1000  }
0xcd: {  	[sflag:s13] =	ssyncset.done $0x0  }
0xce: {  	[sflag:s13] =	ssyncadd.s32 $0xFFFFF000  }
.Ltmp5:
0xcf: {  	_ =	swait.ge [sflag:s13], $0x1000;
	(pc) =	sbr.rel @p0 .LBB2_12-.Ltmp5, $4  }
0xd0: {  	[sflag:s13] =	ssyncset.done $0x0  }
0xd1: {  	[sflag:s13] =	ssyncadd.s32 $0xFFFFF000  }
0xd2: {  	_ =	swait.ge [sflag:s13], $0x1000  }
0xd3: {  	[sflag:s13] =	ssyncset.done $0x0  }
0xd4: {  	s14 =	sadd.s32 $0x1, s14  }
0xd5: {  	p0 =	sne.s32 s14, s6  }
.Ltmp6:
0xd6: {  	_ = 	snop;
	(pc) =	sbr.rel @p0 .LBB2_1-.Ltmp6, $2  }
0xd7: {  	_ =	sdelay $0x2  }
0xd8: {  	[sflag:s13] =	ssyncadd.s32 $0xFFFFF000  }
0xd9: {  	_ =	sfence.sel $0x180000  }
0xda: {  	[bflag:$0x0] =	sbarrier.arrive $0xFFFF  }
0xdb: {  	p0 =	sne.s32 s3, $0x0;
	_ =	strace $0x90000047  }
0xdc: {  	s0 =	sadd.s32 @!p0 $0x100000, s0;
	[bflag:$0x2] =	sbarrier.arrive $0xFFFF  }
0xdd: {  	[sflag:s0] =	ssyncadd.tile.s32 @!p0 $0x1;
	_ =	shalt  }
.Lfunc_end2:
_tile_overlayer_lowered:
.L_overlay_start_2:
0xde: {  	(tag) =	ssettag $0x2  }
0xdf: {  	s0 =	rddreg [dreg:$0x0];
	s2 =	stileid.u32  }
0xe0: {  	s1 =	rddreg [dreg:$0x1];
	p0 =	sne.s32 s2, $0x0  }
0xe1: {  	s3 =	rddreg [dreg:$0x2];
	[bflag:$0x3] =	sbarrier.arrive $0xFFFF;
	s2 =	simm.s32 @!p0 $0x1C02  }
0xe2: {  	[timem:s3], [sflag:s2] =	dma.local @!p0 [hbm:s0], s1  }
0xe3: {  	s0 =	simm.s32 @!p0 $0x2  }
0xe4: {  	_ =	swait.ge @!p0 [sflag:s0], s1  }
0xe5: {  	s1 =	ssub.s32 @!p0 $0x0, s1;
	[sflag:s0] =	ssyncset.done @!p0 $0x0  }
0xe6: {  	[sflag:s0] =	ssyncadd.s32 @!p0 s1  }
0xe7: {  	[bflag:$0x3] =	sbarrier.arrive $0xFFFF  }
0xe8: {  	_ =	shalt  }

</sc_bundles>
